<compile_context>
chip_gen: v7x
topology: tpu7x:2x2x1
jax: 0.10.2.dev20260603
libtpu: 0.0.44.dev20260713+nightly
codegen_flags: <defaults>
</compile_context>

<pallas_src>
import functools

import jax
import jax.numpy as jnp
from jax import lax
from jax.experimental import pallas as pl
from jax.experimental.pallas import tpu as pltpu
from jax.experimental.pallas import tpu_sc as plsc

TOPK = 20
L = 16
NC, NS = 2, 16
NW = NC * NS
NROWS, NCOLS = 4096, 8192
RPW = NROWS // NW
NCH = NCOLS // L
OUTW = 2 * L


def _sortd(v):
  s, _ = plsc.sort_key_val(v, v, descending=True)
  return s


def _topk_sc_body(w_hbm, out_hbm, row_v, cand_v, out_v, scl_f, scl_i, sem):
  del sem
  wid = lax.axis_index("s") * NC + lax.axis_index("c")
  r0 = wid * RPW
  iota = lax.iota(jnp.int32, L)
  neg = jnp.full((L,), -jnp.inf, jnp.float32)

  def row_body(rl, carry):
    pltpu.sync_copy(w_hbm.at[r0 + rl], row_v)

    def pa(i, acc):
      m1a, m2a, m1b, m2b, m1c, m2c, m1d, m2d = acc
      base = pl.multiple_of(i * (4 * L), 4 * L)
      va = row_v[pl.ds(base, L)]
      vb = row_v[pl.ds(base + L, L)]
      vc = row_v[pl.ds(base + 2 * L, L)]
      vd = row_v[pl.ds(base + 3 * L, L)]
      m2a = jnp.maximum(m2a, jnp.minimum(m1a, va)); m1a = jnp.maximum(m1a, va)
      m2b = jnp.maximum(m2b, jnp.minimum(m1b, vb)); m1b = jnp.maximum(m1b, vb)
      m2c = jnp.maximum(m2c, jnp.minimum(m1c, vc)); m1c = jnp.maximum(m1c, vc)
      m2d = jnp.maximum(m2d, jnp.minimum(m1d, vd)); m1d = jnp.maximum(m1d, vd)
      return (m1a, m2a, m1b, m2b, m1c, m2c, m1d, m2d)

    m1a, m2a, m1b, m2b, m1c, m2c, m1d, m2d = lax.fori_loop(
        0, NCH // 4, pa, (neg,) * 8, unroll=4)
    m2ab = jnp.maximum(jnp.minimum(m1a, m1b), jnp.maximum(m2a, m2b))
    m1ab = jnp.maximum(m1a, m1b)
    m2cd = jnp.maximum(jnp.minimum(m1c, m1d), jnp.maximum(m2c, m2d))
    m1cd = jnp.maximum(m1c, m1d)
    m2 = jnp.maximum(jnp.minimum(m1ab, m1cd), jnp.maximum(m2ab, m2cd))
    tau = _sortd(m2)[L - 1]
    tau_v = jnp.broadcast_to(tau, (L,))

    @plsc.parallel_loop(0, NCH, step=1, unroll=8, carry=jnp.int32(0))
    def pb(i, cs):
      v = row_v[pl.ds(pl.multiple_of(i * L, L), L)]
      m = v >= tau_v
      plsc.store_compressed(cand_v.at[pl.ds(cs, L)], v, mask=m)
      return cs + plsc.all_reduce_population_count(m)[0]

    c = pb
    plsc.store_scatter(cand_v, [c + iota], neg)
    nc = lax.div(c + (L - 1), jnp.int32(L))

    def mg(i, ab):
      a_hi, a_lo = ab
      b = cand_v[pl.ds(pl.multiple_of(i * L, L), L)]
      bs = _sortd(b)
      hi1 = jnp.maximum(a_lo, lax.rev(bs, (0,)))
      hs = _sortd(hi1)
      r2 = lax.rev(hs, (0,))
      a_hi, a_lo = jnp.maximum(a_hi, r2), jnp.minimum(a_hi, r2)
      return _sortd(a_hi), _sortd(a_lo)

    a_hi, a_lo = lax.fori_loop(0, nc, mg, (neg, neg))
    base = pl.multiple_of(rl * OUTW, OUTW)
    out_v[pl.ds(base, L)] = a_hi
    out_v[pl.ds(base + L, L)] = a_lo
    return carry

  lax.fori_loop(0, RPW, row_body, jnp.int32(0))
  pltpu.sync_copy(out_v, out_hbm.at[pl.ds(r0 * OUTW, RPW * OUTW)])


@jax.jit
def _topk_sc(w2d):
  mesh = plsc.VectorSubcoreMesh(
      core_axis_name="c", subcore_axis_name="s", num_cores=NC, num_subcores=NS)
  return pl.kernel(
      _topk_sc_body,
      out_type=jax.ShapeDtypeStruct((NROWS * OUTW,), jnp.float32),
      mesh=mesh,
      compiler_params=pltpu.CompilerParams(needs_layout_passes=False),
      scratch_types=[
          pltpu.VMEM((NCOLS,), jnp.float32),
          pltpu.VMEM((NCOLS + L,), jnp.float32),
          pltpu.VMEM((RPW * OUTW,), jnp.float32),
          pltpu.VMEM((L,), jnp.float32),
          pltpu.VMEM((L,), jnp.int32),
          pltpu.SemaphoreType.DMA,
      ],
  )(w2d)


def _mlp_tc_body(x_ref, w1_ref, b1_ref, w2_ref, b2_ref, w3_ref, b3_ref, o_ref):
  x = x_ref[...]
  mask = (x[:, :1] > 0).astype(jnp.float32)
  h = jnp.dot(x, w1_ref[...], precision=lax.Precision.HIGHEST,
              preferred_element_type=jnp.float32) + b1_ref[...]
  h = jnp.where(h > 0, h, 0.01 * h)
  h = jnp.dot(h, w2_ref[...], precision=lax.Precision.HIGHEST,
              preferred_element_type=jnp.float32) + b2_ref[...]
  h = jnp.where(h > 0, h, 0.01 * h)
  z = jnp.dot(h, w3_ref[...], precision=lax.Precision.HIGHEST,
              preferred_element_type=jnp.float32) + b3_ref[...]
  o_ref[...] = mask / (1.0 + jnp.exp(-z))


@jax.jit
def _mlp_tc(top, w1t, b1, w2t, b2, w3t, b3):
  return pl.pallas_call(
      _mlp_tc_body,
      out_shape=jax.ShapeDtypeStruct((NROWS, 1), jnp.float32),
  )(top, w1t, b1, w2t, b2, w3t, b3)


def kernel(weights, W1, b1, W2, b2, W3, b3):
  w2d = weights.reshape(NROWS, NCOLS)
  out_flat = _topk_sc(w2d)
  top = out_flat.reshape(NROWS, OUTW)[:, :TOPK]
  res = _mlp_tc(top, W1.T, b1.reshape(1, -1), W2.T, b2.reshape(1, -1),
                W3.T, b3.reshape(1, -1))
  return res.reshape(weights.shape[0], weights.shape[1], 1)

# --- scband reference (transcript-rebuilt; emitter-appended) ---
"""Pipeline reference for scband-correspondence-weighter-80573586473570 (READ-ONLY COPY).

The authoritative reference and input builder live on the scoring server;
editing this copy changes nothing except your own understanding.
"""

import jax, jax.numpy as jnp
import numpy as np

TOP_K = 20

def setup_inputs(seed: int = 0) -> dict:
    key = jax.random.key(seed)
    k0, k1, k2, k3, k4, k5, k6 = jax.random.split(key, 7)
    weights = jax.random.uniform(k0, (128, 32, 8192), dtype=jnp.float32)
    # MLP params (torch Linear layout: W[out, in], b[out])
    W1 = jax.random.normal(k1, (64, TOP_K), dtype=jnp.float32) * (1.0 / np.sqrt(TOP_K))
    b1 = jax.random.normal(k2, (64,), dtype=jnp.float32) * 0.01
    W2 = jax.random.normal(k3, (64, 64), dtype=jnp.float32) * (1.0 / np.sqrt(64))
    b2 = jax.random.normal(k4, (64,), dtype=jnp.float32) * 0.01
    W3 = jax.random.normal(k5, (1, 64), dtype=jnp.float32) * (1.0 / np.sqrt(64))
    b3 = jax.random.normal(k6, (1,), dtype=jnp.float32) * 0.01
    return {"weights": weights, "W1": W1, "b1": b1, "W2": W2, "b2": b2, "W3": W3, "b3": b3}

def reference(weights, W1, b1, W2, b2, W3, b3):
    # topk branch of CorrespondenceWeighter
    top_w, _ = jax.lax.top_k(weights, TOP_K)
    mask = (jnp.max(top_w, axis=-1, keepdims=True) > 0).astype(weights.dtype)
    h = jax.nn.leaky_relu(top_w @ W1.T + b1, negative_slope=0.01)
    h = jax.nn.leaky_relu(h @ W2.T + b2, negative_slope=0.01)
    out = jax.nn.sigmoid(h @ W3.T + b3)
    return out * mask

if __name__ == "__main__":
    import jax
    _d = setup_inputs()
    print(jax.jit(kernel)(*tuple(_d.values())))

</pallas_src>

<mosaic_0001>
#map = affine_map<(d0, d1) -> (0, 0)>
#map1 = affine_map<(d0, d1) -> (0)>
module attributes {stable_mosaic.version = 14 : i64} {
  func.func @_topk_sc_body(%arg0: i32, %arg1: i32, %arg2: memref<4096x8192xf32, #tpu.memory_space<hbm>>, %arg3: memref<131072xf32, #tpu.memory_space<hbm>>, %arg4: memref<8192xf32, #tpu.memory_space<vmem>>, %arg5: memref<8208xf32, #tpu.memory_space<vmem>>, %arg6: memref<4096xf32, #tpu.memory_space<vmem>>, %arg7: memref<16xf32, #tpu.memory_space<vmem>>, %arg8: memref<16xi32, #tpu.memory_space<vmem>>, %arg9: memref<!tpu.dma_semaphore, #tpu.memory_space<semaphore_mem>>) attributes {dimension_semantics = [#tpu.dimension_semantics<core_parallel>, #tpu.dimension_semantics<subcore_parallel>], iteration_bounds = array<i64: 2, 16>, scalar_prefetch = 0 : i64, scratch_operands = 6 : i64, tpu.core_type = #tpu.core_type<sc_vector_subcore>, window_params = [{transform_indices = #map}, {transform_indices = #map1}]} {
    %mul3A = arith.constant 2 : i32
    %mul3A_0 = arith.muli %arg1, %mul3A : i32
    %add3A = arith.addi %mul3A_0, %arg0 : i32
    %mul3A_1 = arith.constant 128 : i32
    %mul3A_2 = arith.muli %add3A, %mul3A_1 : i32
    %iota3A = tpu.iota {dimensions = array<i32: 0>} : vector<16xi32>
    %broadcast_in_dim3A = arith.constant 0xFF800000 : f32
    %broadcast_in_dim3A_3 = vector.broadcast %broadcast_in_dim3A : f32 to vector<16xf32>
    %scan3A = arith.constant 0 : i32
    %scan3A_4 = arith.constant 0 : i32
    %scan3A_5 = arith.constant 128 : i32
    %scan3A_6 = arith.addi %scan3A_4, %scan3A_5 : i32
    %scan3A_7 = arith.constant 1 : i32
    scf.for %scan3A_11 = %scan3A_4 to %scan3A_6 step %scan3A_7  : i32 {
      %add3A_12 = arith.addi %mul3A_2, %scan3A_11 : i32
      "tpu.region"() ({
        %run_scoped3A = tpu.sem_alloc : memref<!tpu.dma_semaphore, #tpu.memory_space<semaphore_mem>>
        %dma_start3A = arith.constant 0 : i32
        %dma_start3A_58 = tpu.memref_slice %arg2[%add3A_12, %dma_start3A] : memref<4096x8192xf32, #tpu.memory_space<hbm>> -> memref<1x8192xf32, #tpu.memory_space<hbm>>
        %dma_start3A_59 = tpu.memref_squeeze %dma_start3A_58 : memref<1x8192xf32, #tpu.memory_space<hbm>> -> memref<8192xf32, #tpu.memory_space<hbm>>
        %dma_start3A_60 = arith.constant 0 : i32
        %dma_start3A_61 = tpu.memref_slice %arg2[%add3A_12, %dma_start3A_60] : memref<4096x8192xf32, #tpu.memory_space<hbm>> -> memref<1x8192xf32, #tpu.memory_space<hbm>>
        %dma_start3A_62 = tpu.memref_squeeze %dma_start3A_61 : memref<1x8192xf32, #tpu.memory_space<hbm>> -> memref<8192xf32, #tpu.memory_space<hbm>>
        tpu.enqueue_dma source(%dma_start3A_62 : memref<8192xf32, #tpu.memory_space<hbm>>) target(%arg4 : memref<8192xf32, #tpu.memory_space<vmem>>) target_semaphore(%run_scoped3A : memref<!tpu.dma_semaphore, #tpu.memory_space<semaphore_mem>>)
        %dma_wait3A = arith.constant 0 : i32
        %dma_wait3A_63 = tpu.memref_slice %arg2[%add3A_12, %dma_wait3A] : memref<4096x8192xf32, #tpu.memory_space<hbm>> -> memref<1x8192xf32, #tpu.memory_space<hbm>>
        %dma_wait3A_64 = tpu.memref_squeeze %dma_wait3A_63 : memref<1x8192xf32, #tpu.memory_space<hbm>> -> memref<8192xf32, #tpu.memory_space<hbm>>
        %dma_wait3A_65 = arith.constant 0 : i32
        %dma_wait3A_66 = tpu.memref_slice %arg2[%add3A_12, %dma_wait3A_65] : memref<4096x8192xf32, #tpu.memory_space<hbm>> -> memref<1x8192xf32, #tpu.memory_space<hbm>>
        %dma_wait3A_67 = tpu.memref_squeeze %dma_wait3A_66 : memref<1x8192xf32, #tpu.memory_space<hbm>> -> memref<8192xf32, #tpu.memory_space<hbm>>
        tpu.wait_dma2 semaphore(%run_scoped3A : memref<!tpu.dma_semaphore, #tpu.memory_space<semaphore_mem>>) src(%dma_wait3A_67 : memref<8192xf32, #tpu.memory_space<hbm>>) dst(%arg4 : memref<8192xf32, #tpu.memory_space<vmem>>)
        tpu.yield
      }) : () -> ()
      %scan3A_13 = arith.constant 0 : i32
      %scan3A_14 = arith.constant 128 : i32
      %scan3A_15 = arith.addi %scan3A_13, %scan3A_14 : i32
      %scan3A_16 = arith.constant 4 : i32
      %scan3A_17:8 = scf.for %scan3A_58 = %scan3A_13 to %scan3A_15 step %scan3A_16 iter_args(%scan3A_59 = %broadcast_in_dim3A_3, %scan3A_60 = %broadcast_in_dim3A_3, %scan3A_61 = %broadcast_in_dim3A_3, %scan3A_62 = %broadcast_in_dim3A_3, %scan3A_63 = %broadcast_in_dim3A_3, %scan3A_64 = %broadcast_in_dim3A_3, %scan3A_65 = %broadcast_in_dim3A_3, %scan3A_66 = %broadcast_in_dim3A_3) -> (vector<16xf32>, vector<16xf32>, vector<16xf32>, vector<16xf32>, vector<16xf32>, vector<16xf32>, vector<16xf32>, vector<16xf32>)  : i32 {
        %mul3A_67 = arith.constant 64 : i32
        %mul3A_68 = arith.muli %scan3A_58, %mul3A_67 : i32
        %multiple_of3A_69 = tpu.assume_multiple %mul3A_68, 64 : i32
        %get3A = arith.index_cast %multiple_of3A_69 : i32 to index
        %get3A_70 = tpu.vector_load %arg4[%get3A] {strides = array<i32>} : memref<8192xf32, #tpu.memory_space<vmem>>, vector<16xf32>,
        %add3A_71 = arith.constant 16 : i32
        %add3A_72 = arith.addi %multiple_of3A_69, %add3A_71 : i32
        %get3A_73 = arith.index_cast %add3A_72 : i32 to index
        %get3A_74 = tpu.vector_load %arg4[%get3A_73] {strides = array<i32>} : memref<8192xf32, #tpu.memory_space<vmem>>, vector<16xf32>,
        %add3A_75 = arith.constant 32 : i32
        %add3A_76 = arith.addi %multiple_of3A_69, %add3A_75 : i32
        %get3A_77 = arith.index_cast %add3A_76 : i32 to index
        %get3A_78 = tpu.vector_load %arg4[%get3A_77] {strides = array<i32>} : memref<8192xf32, #tpu.memory_space<vmem>>, vector<16xf32>,
        %add3A_79 = arith.constant 48 : i32
        %add3A_80 = arith.addi %multiple_of3A_69, %add3A_79 : i32
        %get3A_81 = arith.index_cast %add3A_80 : i32 to index
        %get3A_82 = tpu.vector_load %arg4[%get3A_81] {strides = array<i32>} : memref<8192xf32, #tpu.memory_space<vmem>>, vector<16xf32>,
        %min3A_83 = arith.minimumf %scan3A_59, %get3A_70 : vector<16xf32>
        %max3A_84 = arith.maximumf %scan3A_60, %min3A_83 : vector<16xf32>
        %max3A_85 = arith.maximumf %scan3A_59, %get3A_70 : vector<16xf32>
        %min3A_86 = arith.minimumf %scan3A_61, %get3A_74 : vector<16xf32>
        %max3A_87 = arith.maximumf %scan3A_62, %min3A_86 : vector<16xf32>
        %max3A_88 = arith.maximumf %scan3A_61, %get3A_74 : vector<16xf32>
        %min3A_89 = arith.minimumf %scan3A_63, %get3A_78 : vector<16xf32>
        %max3A_90 = arith.maximumf %scan3A_64, %min3A_89 : vector<16xf32>
        %max3A_91 = arith.maximumf %scan3A_63, %get3A_78 : vector<16xf32>
        %min3A_92 = arith.minimumf %scan3A_65, %get3A_82 : vector<16xf32>
        %max3A_93 = arith.maximumf %scan3A_66, %min3A_92 : vector<16xf32>
        %max3A_94 = arith.maximumf %scan3A_65, %get3A_82 : vector<16xf32>
        %scan3A_95 = arith.constant 1 : i32
        %scan3A_96 = arith.addi %scan3A_58, %scan3A_95 : i32
        %mul3A_97 = arith.constant 64 : i32
        %mul3A_98 = arith.muli %scan3A_96, %mul3A_97 : i32
        %multiple_of3A_99 = tpu.assume_multiple %mul3A_98, 64 : i32
        %get3A_100 = arith.index_cast %multiple_of3A_99 : i32 to index
        %get3A_101 = tpu.vector_load %arg4[%get3A_100] {strides = array<i32>} : memref<8192xf32, #tpu.memory_space<vmem>>, vector<16xf32>,
        %add3A_102 = arith.constant 16 : i32
        %add3A_103 = arith.addi %multiple_of3A_99, %add3A_102 : i32
        %get3A_104 = arith.index_cast %add3A_103 : i32 to index
        %get3A_105 = tpu.vector_load %arg4[%get3A_104] {strides = array<i32>} : memref<8192xf32, #tpu.memory_space<vmem>>, vector<16xf32>,
        %add3A_106 = arith.constant 32 : i32
        %add3A_107 = arith.addi %multiple_of3A_99, %add3A_106 : i32
        %get3A_108 = arith.index_cast %add3A_107 : i32 to index
        %get3A_109 = tpu.vector_load %arg4[%get3A_108] {strides = array<i32>} : memref<8192xf32, #tpu.memory_space<vmem>>, vector<16xf32>,
        %add3A_110 = arith.constant 48 : i32
        %add3A_111 = arith.addi %multiple_of3A_99, %add3A_110 : i32
        %get3A_112 = arith.index_cast %add3A_111 : i32 to index
        %get3A_113 = tpu.vector_load %arg4[%get3A_112] {strides = array<i32>} : memref<8192xf32, #tpu.memory_space<vmem>>, vector<16xf32>,
        %min3A_114 = arith.minimumf %max3A_85, %get3A_101 : vector<16xf32>
        %max3A_115 = arith.maximumf %max3A_84, %min3A_114 : vector<16xf32>
        %max3A_116 = arith.maximumf %max3A_85, %get3A_101 : vector<16xf32>
        %min3A_117 = arith.minimumf %max3A_88, %get3A_105 : vector<16xf32>
        %max3A_118 = arith.maximumf %max3A_87, %min3A_117 : vector<16xf32>
        %max3A_119 = arith.maximumf %max3A_88, %get3A_105 : vector<16xf32>
        %min3A_120 = arith.minimumf %max3A_91, %get3A_109 : vector<16xf32>
        %max3A_121 = arith.maximumf %max3A_90, %min3A_120 : vector<16xf32>
        %max3A_122 = arith.maximumf %max3A_91, %get3A_109 : vector<16xf32>
        %min3A_123 = arith.minimumf %max3A_94, %get3A_113 : vector<16xf32>
        %max3A_124 = arith.maximumf %max3A_93, %min3A_123 : vector<16xf32>
        %max3A_125 = arith.maximumf %max3A_94, %get3A_113 : vector<16xf32>
        %scan3A_126 = arith.constant 2 : i32
        %scan3A_127 = arith.addi %scan3A_58, %scan3A_126 : i32
        %mul3A_128 = arith.constant 64 : i32
        %mul3A_129 = arith.muli %scan3A_127, %mul3A_128 : i32
        %multiple_of3A_130 = tpu.assume_multiple %mul3A_129, 64 : i32
        %get3A_131 = arith.index_cast %multiple_of3A_130 : i32 to index
        %get3A_132 = tpu.vector_load %arg4[%get3A_131] {strides = array<i32>} : memref<8192xf32, #tpu.memory_space<vmem>>, vector<16xf32>,
        %add3A_133 = arith.constant 16 : i32
        %add3A_134 = arith.addi %multiple_of3A_130, %add3A_133 : i32
        %get3A_135 = arith.index_cast %add3A_134 : i32 to index
        %get3A_136 = tpu.vector_load %arg4[%get3A_135] {strides = array<i32>} : memref<8192xf32, #tpu.memory_space<vmem>>, vector<16xf32>,
        %add3A_137 = arith.constant 32 : i32
        %add3A_138 = arith.addi %multiple_of3A_130, %add3A_137 : i32
        %get3A_139 = arith.index_cast %add3A_138 : i32 to index
        %get3A_140 = tpu.vector_load %arg4[%get3A_139] {strides = array<i32>} : memref<8192xf32, #tpu.memory_space<vmem>>, vector<16xf32>,
        %add3A_141 = arith.constant 48 : i32
        %add3A_142 = arith.addi %multiple_of3A_130, %add3A_141 : i32
        %get3A_143 = arith.index_cast %add3A_142 : i32 to index
        %get3A_144 = tpu.vector_load %arg4[%get3A_143] {strides = array<i32>} : memref<8192xf32, #tpu.memory_space<vmem>>, vector<16xf32>,
        %min3A_145 = arith.minimumf %max3A_116, %get3A_132 : vector<16xf32>
        %max3A_146 = arith.maximumf %max3A_115, %min3A_145 : vector<16xf32>
        %max3A_147 = arith.maximumf %max3A_116, %get3A_132 : vector<16xf32>
        %min3A_148 = arith.minimumf %max3A_119, %get3A_136 : vector<16xf32>
        %max3A_149 = arith.maximumf %max3A_118, %min3A_148 : vector<16xf32>
        %max3A_150 = arith.maximumf %max3A_119, %get3A_136 : vector<16xf32>
        %min3A_151 = arith.minimumf %max3A_122, %get3A_140 : vector<16xf32>
        %max3A_152 = arith.maximumf %max3A_121, %min3A_151 : vector<16xf32>
        %max3A_153 = arith.maximumf %max3A_122, %get3A_140 : vector<16xf32>
        %min3A_154 = arith.minimumf %max3A_125, %get3A_144 : vector<16xf32>
        %max3A_155 = arith.maximumf %max3A_124, %min3A_154 : vector<16xf32>
        %max3A_156 = arith.maximumf %max3A_125, %get3A_144 : vector<16xf32>
        %scan3A_157 = arith.constant 3 : i32
        %scan3A_158 = arith.addi %scan3A_58, %scan3A_157 : i32
        %mul3A_159 = arith.constant 64 : i32
        %mul3A_160 = arith.muli %scan3A_158, %mul3A_159 : i32
        %multiple_of3A_161 = tpu.assume_multiple %mul3A_160, 64 : i32
        %get3A_162 = arith.index_cast %multiple_of3A_161 : i32 to index
        %get3A_163 = tpu.vector_load %arg4[%get3A_162] {strides = array<i32>} : memref<8192xf32, #tpu.memory_space<vmem>>, vector<16xf32>,
        %add3A_164 = arith.constant 16 : i32
        %add3A_165 = arith.addi %multiple_of3A_161, %add3A_164 : i32
        %get3A_166 = arith.index_cast %add3A_165 : i32 to index
        %get3A_167 = tpu.vector_load %arg4[%get3A_166] {strides = array<i32>} : memref<8192xf32, #tpu.memory_space<vmem>>, vector<16xf32>,
        %add3A_168 = arith.constant 32 : i32
        %add3A_169 = arith.addi %multiple_of3A_161, %add3A_168 : i32
        %get3A_170 = arith.index_cast %add3A_169 : i32 to index
        %get3A_171 = tpu.vector_load %arg4[%get3A_170] {strides = array<i32>} : memref<8192xf32, #tpu.memory_space<vmem>>, vector<16xf32>,
        %add3A_172 = arith.constant 48 : i32
        %add3A_173 = arith.addi %multiple_of3A_161, %add3A_172 : i32
        %get3A_174 = arith.index_cast %add3A_173 : i32 to index
        %get3A_175 = tpu.vector_load %arg4[%get3A_174] {strides = array<i32>} : memref<8192xf32, #tpu.memory_space<vmem>>, vector<16xf32>,
        %min3A_176 = arith.minimumf %max3A_147, %get3A_163 : vector<16xf32>
        %max3A_177 = arith.maximumf %max3A_146, %min3A_176 : vector<16xf32>
        %max3A_178 = arith.maximumf %max3A_147, %get3A_163 : vector<16xf32>
        %min3A_179 = arith.minimumf %max3A_150, %get3A_167 : vector<16xf32>
        %max3A_180 = arith.maximumf %max3A_149, %min3A_179 : vector<16xf32>
        %max3A_181 = arith.maximumf %max3A_150, %get3A_167 : vector<16xf32>
        %min3A_182 = arith.minimumf %max3A_153, %get3A_171 : vector<16xf32>
        %max3A_183 = arith.maximumf %max3A_152, %min3A_182 : vector<16xf32>
        %max3A_184 = arith.maximumf %max3A_153, %get3A_171 : vector<16xf32>
        %min3A_185 = arith.minimumf %max3A_156, %get3A_175 : vector<16xf32>
        %max3A_186 = arith.maximumf %max3A_155, %min3A_185 : vector<16xf32>
        %max3A_187 = arith.maximumf %max3A_156, %get3A_175 : vector<16xf32>
        scf.yield %max3A_178, %max3A_177, %max3A_181, %max3A_180, %max3A_184, %max3A_183, %max3A_187, %max3A_186 : vector<16xf32>, vector<16xf32>, vector<16xf32>, vector<16xf32>, vector<16xf32>, vector<16xf32>, vector<16xf32>, vector<16xf32>
      }
      %scan3A_18 = arith.constant 128 : i32
      %min3A = arith.minimumf %scan3A_17#0, %scan3A_17#2 : vector<16xf32>
      %max3A = arith.maximumf %scan3A_17#1, %scan3A_17#3 : vector<16xf32>
      %max3A_19 = arith.maximumf %min3A, %max3A : vector<16xf32>
      %max3A_20 = arith.maximumf %scan3A_17#0, %scan3A_17#2 : vector<16xf32>
      %min3A_21 = arith.minimumf %scan3A_17#4, %scan3A_17#6 : vector<16xf32>
      %max3A_22 = arith.maximumf %scan3A_17#5, %scan3A_17#7 : vector<16xf32>
      %max3A_23 = arith.maximumf %min3A_21, %max3A_22 : vector<16xf32>
      %max3A_24 = arith.maximumf %scan3A_17#4, %scan3A_17#6 : vector<16xf32>
      %min3A_25 = arith.minimumf %max3A_20, %max3A_24 : vector<16xf32>
      %max3A_26 = arith.maximumf %max3A_19, %max3A_23 : vector<16xf32>
      %max3A_27 = arith.maximumf %min3A_25, %max3A_26 : vector<16xf32>
      %masked_sort3A = arith.constant dense<true> : vector<16xi1>
      %masked_sort3A_28, %masked_sort3A_29, %masked_sort3A_30 = tpu.sort %max3A_27, %max3A_27 masked %masked_sort3A {descending = true} : (vector<16xf32>, vector<16xf32>, vector<16xi1>) -> (vector<16xi1>, vector<16xf32>, vector<16xf32>)
      %slice3A = vector.extract_strided_slice %masked_sort3A_29 {offsets = [15], sizes = [1], strides = [1]} : vector<16xf32> to vector<1xf32>
      %squeeze3A = vector.extract %slice3A[0] : f32 from vector<1xf32>
      %broadcast_in_dim3A_31 = vector.broadcast %squeeze3A : f32 to vector<16xf32>
      %parallel_loop3A = arith.constant 0 : i32
      %parallel_loop3A_32 = arith.constant 512 : i32
      %parallel_loop3A_33 = arith.constant 1 : i32
      %parallel_loop3A_34 = arith.constant 0 : i32
      %parallel_loop3A_35 = scf.for %parallel_loop3A_58 = %parallel_loop3A to %parallel_loop3A_32 step %parallel_loop3A_33 iter_args(%parallel_loop3A_59 = %parallel_loop3A_34) -> (i32)  : i32 {
        %parallel_loop3A_60 = arith.constant 16 : i32
        %parallel_loop3A_61 = arith.muli %parallel_loop3A_58, %parallel_loop3A_60 : i32
        %parallel_loop3A_62 = tpu.assume_multiple %parallel_loop3A_61, 16 : i32
        %parallel_loop3A_63 = arith.index_cast %parallel_loop3A_62 : i32 to index
        %parallel_loop3A_64 = tpu.vector_load %arg4[%parallel_loop3A_63] {strides = array<i32>} : memref<8192xf32, #tpu.memory_space<vmem>>, vector<16xf32>,
        %parallel_loop3A_65 = arith.cmpf oge, %parallel_loop3A_64, %broadcast_in_dim3A_31 : vector<16xf32>
        %parallel_loop3A_66 = arith.index_cast %parallel_loop3A_59 : i32 to index
        %parallel_loop3A_67 = tpu.vector_load %arg5[%parallel_loop3A_66] masked %parallel_loop3A_65 {strides = array<i32>} : memref<8208xf32, #tpu.memory_space<vmem>>, vector<16xf32>, vector<16xi1>
        tpu.vector_store %arg5[%parallel_loop3A_66], %parallel_loop3A_64 masked %parallel_loop3A_65 {strides = array<i32>} : memref<8208xf32, #tpu.memory_space<vmem>>, vector<16xf32>, vector<16xi1>
        %parallel_loop3A_68 = tpu.all_reduce %parallel_loop3A_65 {dim = 0 : i64, kind = #tpu.reduction_kind<sum>} : vector<16xi1> -> vector<16xi32>
        %parallel_loop3A_69 = vector.extract_strided_slice %parallel_loop3A_68 {offsets = [0], sizes = [1], strides = [1]} : vector<16xi32> to vector<1xi32>
        %parallel_loop3A_70 = vector.extract %parallel_loop3A_69[0] : i32 from vector<1xi32>
        %parallel_loop3A_71 = arith.addi %parallel_loop3A_59, %parallel_loop3A_70 : i32
        scf.yield %parallel_loop3A_71 : i32
      } {sc.loop_unroll_factor = 8 : i64, sc.parallel_access}
      %add3A_36 = vector.broadcast %parallel_loop3A_35 : i32 to vector<16xi32>
      %add3A_37 = arith.addi %add3A_36, %iota3A : vector<16xi32>
      tpu.vector_store_idx %arg5[%add3A_37], %broadcast_in_dim3A_3 : memref<8208xf32, #tpu.memory_space<vmem>>[vector<16xi32>], vector<16xf32>,
      %add3A_38 = arith.constant 15 : i32
      %add3A_39 = arith.addi %parallel_loop3A_35, %add3A_38 : i32
      %div3A = arith.constant 16 : i32
      %div3A_40 = arith.divsi %add3A_39, %div3A : i32
      %while3A = arith.constant 0 : i32
      %while3A_41 = arith.subi %div3A_40, %while3A : i32
      %while3A_42 = arith.addi %while3A, %while3A_41 : i32
      %while3A_43 = arith.constant 1 : i32
      %while3A_44 = arith.divsi %while3A_41, %while3A_43 : i32
      %while3A_45 = arith.muli %while3A_44, %while3A_43 : i32
      %while3A_46 = arith.addi %while3A, %while3A_45 : i32
      %while3A_47 = arith.constant 1 : i32
      %while3A_48:2 = scf.for %while3A_58 = %while3A to %while3A_46 step %while3A_47 iter_args(%while3A_59 = %broadcast_in_dim3A_3, %while3A_60 = %broadcast_in_dim3A_3) -> (vector<16xf32>, vector<16xf32>)  : i32 {
        %mul3A_61 = arith.constant 16 : i32
        %mul3A_62 = arith.muli %while3A_58, %mul3A_61 : i32
        %multiple_of3A_63 = tpu.assume_multiple %mul3A_62, 16 : i32
        %get3A = arith.index_cast %multiple_of3A_63 : i32 to index
        %get3A_64 = tpu.vector_load %arg5[%get3A] {strides = array<i32>} : memref<8208xf32, #tpu.memory_space<vmem>>, vector<16xf32>,
        %masked_sort3A_65 = arith.constant dense<true> : vector<16xi1>
        %masked_sort3A_66, %masked_sort3A_67, %masked_sort3A_68 = tpu.sort %get3A_64, %get3A_64 masked %masked_sort3A_65 {descending = true} : (vector<16xf32>, vector<16xf32>, vector<16xi1>) -> (vector<16xi1>, vector<16xf32>, vector<16xf32>)
        %rev3A = arith.constant 15 : i32
        %rev3A_69 = vector.broadcast %rev3A : i32 to vector<16xi32>
        %rev3A_70 = tpu.iota {dimensions = array<i32: 0>} : vector<16xi32>
        %rev3A_71 = arith.subi %rev3A_69, %rev3A_70 : vector<16xi32>
        %rev3A_72 = tpu.dynamic_gather %masked_sort3A_67[%rev3A_71] in [0] : vector<16xf32>, vector<16xi32> -> vector<16xf32>
        %max3A_73 = arith.maximumf %while3A_60, %rev3A_72 : vector<16xf32>
        %masked_sort3A_74 = arith.constant dense<true> : vector<16xi1>
        %masked_sort3A_75, %masked_sort3A_76, %masked_sort3A_77 = tpu.sort %max3A_73, %max3A_73 masked %masked_sort3A_74 {descending = true} : (vector<16xf32>, vector<16xf32>, vector<16xi1>) -> (vector<16xi1>, vector<16xf32>, vector<16xf32>)
        %rev3A_78 = arith.constant 15 : i32
        %rev3A_79 = vector.broadcast %rev3A_78 : i32 to vector<16xi32>
        %rev3A_80 = tpu.iota {dimensions = array<i32: 0>} : vector<16xi32>
        %rev3A_81 = arith.subi %rev3A_79, %rev3A_80 : vector<16xi32>
        %rev3A_82 = tpu.dynamic_gather %masked_sort3A_76[%rev3A_81] in [0] : vector<16xf32>, vector<16xi32> -> vector<16xf32>
        %max3A_83 = arith.maximumf %while3A_59, %rev3A_82 : vector<16xf32>
        %min3A_84 = arith.minimumf %while3A_59, %rev3A_82 : vector<16xf32>
        %masked_sort3A_85 = arith.constant dense<true> : vector<16xi1>
        %masked_sort3A_86, %masked_sort3A_87, %masked_sort3A_88 = tpu.sort %max3A_83, %max3A_83 masked %masked_sort3A_85 {descending = true} : (vector<16xf32>, vector<16xf32>, vector<16xi1>) -> (vector<16xi1>, vector<16xf32>, vector<16xf32>)
        %masked_sort3A_89 = arith.constant dense<true> : vector<16xi1>
        %masked_sort3A_90, %masked_sort3A_91, %masked_sort3A_92 = tpu.sort %min3A_84, %min3A_84 masked %masked_sort3A_89 {descending = true} : (vector<16xf32>, vector<16xf32>, vector<16xi1>) -> (vector<16xi1>, vector<16xf32>, vector<16xf32>)
        scf.yield %masked_sort3A_87, %masked_sort3A_91 : vector<16xf32>, vector<16xf32>
      }
      %while3A_49 = arith.constant 1 : i32
      %while3A_50:2 = scf.for %while3A_58 = %while3A_46 to %while3A_42 step %while3A_49 iter_args(%while3A_59 = %while3A_48#0, %while3A_60 = %while3A_48#1) -> (vector<16xf32>, vector<16xf32>)  : i32 {
        %mul3A_61 = arith.constant 16 : i32
        %mul3A_62 = arith.muli %while3A_58, %mul3A_61 : i32
        %multiple_of3A_63 = tpu.assume_multiple %mul3A_62, 16 : i32
        %get3A = arith.index_cast %multiple_of3A_63 : i32 to index
        %get3A_64 = tpu.vector_load %arg5[%get3A] {strides = array<i32>} : memref<8208xf32, #tpu.memory_space<vmem>>, vector<16xf32>,
        %masked_sort3A_65 = arith.constant dense<true> : vector<16xi1>
        %masked_sort3A_66, %masked_sort3A_67, %masked_sort3A_68 = tpu.sort %get3A_64, %get3A_64 masked %masked_sort3A_65 {descending = true} : (vector<16xf32>, vector<16xf32>, vector<16xi1>) -> (vector<16xi1>, vector<16xf32>, vector<16xf32>)
        %rev3A = arith.constant 15 : i32
        %rev3A_69 = vector.broadcast %rev3A : i32 to vector<16xi32>
        %rev3A_70 = tpu.iota {dimensions = array<i32: 0>} : vector<16xi32>
        %rev3A_71 = arith.subi %rev3A_69, %rev3A_70 : vector<16xi32>
        %rev3A_72 = tpu.dynamic_gather %masked_sort3A_67[%rev3A_71] in [0] : vector<16xf32>, vector<16xi32> -> vector<16xf32>
        %max3A_73 = arith.maximumf %while3A_60, %rev3A_72 : vector<16xf32>
        %masked_sort3A_74 = arith.constant dense<true> : vector<16xi1>
        %masked_sort3A_75, %masked_sort3A_76, %masked_sort3A_77 = tpu.sort %max3A_73, %max3A_73 masked %masked_sort3A_74 {descending = true} : (vector<16xf32>, vector<16xf32>, vector<16xi1>) -> (vector<16xi1>, vector<16xf32>, vector<16xf32>)
        %rev3A_78 = arith.constant 15 : i32
        %rev3A_79 = vector.broadcast %rev3A_78 : i32 to vector<16xi32>
        %rev3A_80 = tpu.iota {dimensions = array<i32: 0>} : vector<16xi32>
        %rev3A_81 = arith.subi %rev3A_79, %rev3A_80 : vector<16xi32>
        %rev3A_82 = tpu.dynamic_gather %masked_sort3A_76[%rev3A_81] in [0] : vector<16xf32>, vector<16xi32> -> vector<16xf32>
        %max3A_83 = arith.maximumf %while3A_59, %rev3A_82 : vector<16xf32>
        %min3A_84 = arith.minimumf %while3A_59, %rev3A_82 : vector<16xf32>
        %masked_sort3A_85 = arith.constant dense<true> : vector<16xi1>
        %masked_sort3A_86, %masked_sort3A_87, %masked_sort3A_88 = tpu.sort %max3A_83, %max3A_83 masked %masked_sort3A_85 {descending = true} : (vector<16xf32>, vector<16xf32>, vector<16xi1>) -> (vector<16xi1>, vector<16xf32>, vector<16xf32>)
        %masked_sort3A_89 = arith.constant dense<true> : vector<16xi1>
        %masked_sort3A_90, %masked_sort3A_91, %masked_sort3A_92 = tpu.sort %min3A_84, %min3A_84 masked %masked_sort3A_89 {descending = true} : (vector<16xf32>, vector<16xf32>, vector<16xi1>) -> (vector<16xi1>, vector<16xf32>, vector<16xf32>)
        scf.yield %masked_sort3A_87, %masked_sort3A_91 : vector<16xf32>, vector<16xf32>
      }
      %mul3A_51 = arith.constant 32 : i32
      %mul3A_52 = arith.muli %scan3A_11, %mul3A_51 : i32
      %multiple_of3A = tpu.assume_multiple %mul3A_52, 32 : i32
      %swap3A = arith.index_cast %multiple_of3A : i32 to index
      %swap3A_53 = tpu.vector_load %arg6[%swap3A] {strides = array<i32>} : memref<4096xf32, #tpu.memory_space<vmem>>, vector<16xf32>,
      tpu.vector_store %arg6[%swap3A], %while3A_50#0 {strides = array<i32>} : memref<4096xf32, #tpu.memory_space<vmem>>, vector<16xf32>,
      %add3A_54 = arith.constant 16 : i32
      %add3A_55 = arith.addi %multiple_of3A, %add3A_54 : i32
      %swap3A_56 = arith.index_cast %add3A_55 : i32 to index
      %swap3A_57 = tpu.vector_load %arg6[%swap3A_56] {strides = array<i32>} : memref<4096xf32, #tpu.memory_space<vmem>>, vector<16xf32>,
      tpu.vector_store %arg6[%swap3A_56], %while3A_50#1 {strides = array<i32>} : memref<4096xf32, #tpu.memory_space<vmem>>, vector<16xf32>,
    }
    %scan3A_8 = arith.constant 128 : i32
    %mul3A_9 = arith.constant 32 : i32
    %mul3A_10 = arith.muli %mul3A_2, %mul3A_9 : i32
    "tpu.region"() ({
      %run_scoped3A = tpu.sem_alloc : memref<!tpu.dma_semaphore, #tpu.memory_space<semaphore_mem>>
      %dma_start3A = tpu.memref_slice %arg3[%mul3A_10] : memref<131072xf32, #tpu.memory_space<hbm>> -> memref<4096xf32, #tpu.memory_space<hbm>>
      %dma_start3A_11 = tpu.memref_slice %arg3[%mul3A_10] : memref<131072xf32, #tpu.memory_space<hbm>> -> memref<4096xf32, #tpu.memory_space<hbm>>
      tpu.enqueue_dma source(%arg6 : memref<4096xf32, #tpu.memory_space<vmem>>) target(%dma_start3A_11 : memref<4096xf32, #tpu.memory_space<hbm>>) target_semaphore(%run_scoped3A : memref<!tpu.dma_semaphore, #tpu.memory_space<semaphore_mem>>)
      %dma_wait3A = tpu.memref_slice %arg3[%mul3A_10] : memref<131072xf32, #tpu.memory_space<hbm>> -> memref<4096xf32, #tpu.memory_space<hbm>>
      %dma_wait3A_12 = tpu.memref_slice %arg3[%mul3A_10] : memref<131072xf32, #tpu.memory_space<hbm>> -> memref<4096xf32, #tpu.memory_space<hbm>>
      tpu.wait_dma2 semaphore(%run_scoped3A : memref<!tpu.dma_semaphore, #tpu.memory_space<semaphore_mem>>) src(%arg6 : memref<4096xf32, #tpu.memory_space<vmem>>) dst(%dma_wait3A_12 : memref<4096xf32, #tpu.memory_space<hbm>>)
      tpu.yield
    }) : () -> ()
    return
  }
}

</mosaic_0001>

<sc_bundles>
// kernel: _topk_sc.3.cloned.1.call-start
scs
__scs_entry_jumppad:
0x0: {  	(pc) =	sbr.rel $0x88, $3  }
0x1: {  	(tag) =	ssettag $0x0;
	lr =	simm.s32 $0x1  }
0x2: {  	[smem:$0x3FA0] =	sst lr;
	_ =	strace $0xD0000000  }
0x3: {  	_ = 	snop  }
0x4: {  	_ = 	snop  }
0x5: {  	_ = 	snop  }
0x6: {  	_ = 	snop  }
0x7: {  	_ = 	snop  }
__scs_overlays_trampoline_lowered:
0x8: {  	[smem:$0x3FAF] =	sst s0  }
0x9: {  	[smem:$0x3FB0] =	sst s1  }
0xa: {  	[smem:$0x3FB1] =	sst s2  }
0xb: {  	[smem:$0x3FB2] =	sst s3  }
0xc: {  	[smem:$0x3FB3] =	sst s4  }
0xd: {  	[smem:$0x3FB4] =	sst s5  }
0xe: {  	[smem:$0x3FB5] =	sst s6  }
0xf: {  	[smem:$0x3FB6] =	sst s7  }
0x10: {  	[smem:$0x3FB7] =	sst s8  }
0x11: {  	[smem:$0x3FB8] =	sst s9;
	s0 =	simm.s32 @!p0 $0x0  }
0x12: {  	s1 =	sld [smem:$0x3F9E];
	s0 =	simm.s32 @p0 $0x1  }
0x13: {  	[smem:$0x3FB9] =	sst s0;
	s0 =	simm.s32 @!p1 $0x0  }
0x14: {  	s2 =	sld [smem:$0x3F9D];
	s0 =	simm.s32 @p1 $0x1  }
0x15: {  	[smem:$0x3FBA] =	sst s0;
	s0 =	simm.s32 @!p2 $0x0  }
0x16: {  	s3 =	sld [smem:$0x3FDB];
	s0 =	simm.s32 @p2 $0x1  }
0x17: {  	s4 =	simm.s32 $0x1BF5;
	[smem:$0x3FBC] =	sst s0  }
0x18: {  	s0 =	sld [smem:$0x3F9F];
	_ =	swait.ge [sflag:s4], $0x0  }
0x19: {  	s7 =	sld [smem:$0x3FA0]  }
0x1a: {  	s8 =	sadd.s32 $0xFFFFE003, lr  }
0x1b: {  	s9 =	sadd.s32 $0xFFFFFEF7, lr;
	s5 =	simm.s32 $0xFFFFFFFF;
	p2 =	slt.u32 s8, $0xFFFFF086  }
0x1c: {  	p1 =	slt.u32 s9, $0xF7A;
	s5 =	simm.s32 @!p2 $0x0  }
0x1d: {  	s5 =	simm.s32 @p1 $0x1;
	p0 =	seq.s32 s7, s2  }
0x1e: {  	s7 =	smul.u32 @!p0 $0xF7A, s2;
	p2 =	seq.s32 @!p0 s5, $0x0  }
0x1f: {  	s9 =	smul.u32 $0xF7A, s1;
	s8 =	simm.s32 @!p0 $0x1BF5;
	p2 =	por !p2, p0  }
0x20: {  	[sflag:s8] =	ssyncset.s32 @!p0 $0xFFFFF086;
	s6 =	sadd.s32 @!p0 s3, s7;
	s7 =	simm.s32 @!p0 $0x108  }
0x21: {  	s3 =	sadd.s32 s3, s9;
	s6 =	sadd.s32 @!p0 $0x88, s6;
	s7 =	simm.s32 @p2 $0x1082  }
0x22: {  	[simem:s7], [sflag:s8] =	dma.local @!p0 [hbm:s6], $0xF7A  }
0x23: {  	s9 =	sor.u32 $0xD0000000, s2;
	s6 =	simm.s32 $0x108;
	_ =	swait.ge @!p0 [sflag:s8], $0x0  }
0x24: {  	s3 =	sadd.s32 $0x88, s3;
	s6 =	simm.s32 @!p1 $0x1082;
	[sflag:s4] =	ssyncset.s32 $0xFFFFF086  }
0x25: {  	[simem:s6], [sflag:s4] =	dma.local [hbm:s3], $0xF7A  }
0x26: {  	[smem:$0x3FA0] =	sst s1;
	(tag) =	ssettag s2;
	_ =	strace s9  }
0x27: {  	s1 =	sld [smem:$0x3FB0]  }
0x28: {  	s2 =	sld [smem:$0x3FB1]  }
0x29: {  	s4 =	sld [smem:$0x3FB3]  }
0x2a: {  	p0 =	seq.s32 s5, $0x0;
	s5 =	sld [smem:$0x3FB4]  }
0x2b: {  	s6 =	sld [smem:$0x3FB5]  }
0x2c: {  	s7 =	sld [smem:$0x3FB6]  }
0x2d: {  	s3 =	simm.s32 $0x108;
	s8 =	sld [smem:$0x3FB7]  }
0x2e: {  	s3 =	simm.s32 @!p0 $0x1082;
	s9 =	sld [smem:$0x3FB8]  }
0x2f: {  	lr =	sadd.s32 s0, s3;
	s0 =	sld [smem:$0x3FAF]  }
0x30: {  	s3 =	sld [smem:$0x3FB2]  }
0x31: {  	[smem:$0x3FBB] =	sst s10  }
0x32: {  	s10 =	sld [smem:$0x3FB9];
	_ =	sdelay $0x3  }
0x33: {  	p0 =	seq.s32 s10, $0x1;
	s10 =	sld [smem:$0x3FBB];
	_ =	sdelay $0x3  }
0x34: {  	[smem:$0x3FBB] =	sst s10  }
0x35: {  	s10 =	sld [smem:$0x3FBA];
	_ =	sdelay $0x3  }
0x36: {  	p1 =	seq.s32 s10, $0x1;
	s10 =	sld [smem:$0x3FBB];
	_ =	sdelay $0x3  }
0x37: {  	[smem:$0x3FBB] =	sst s10  }
0x38: {  	s10 =	sld [smem:$0x3FBC]  }
0x39: {  	_ = 	snop;
	(pc) =	sbr.ind lr, $3  }
0x3a: {  	_ = 	snop  }
0x3b: {  	_ = 	snop  }
0x3c: {  	p2 =	seq.s32 s10, $0x1;
	s10 =	sld [smem:$0x3FBB]  }
0x3d: {  	_ =	shalt  }
0x3e: {  	_ =	shalt  }
0x3f: {  	_ =	shalt  }
0x40: {  	_ =	shalt  }
0x41: {  	_ =	shalt  }
0x42: {  	_ =	shalt  }
0x43: {  	_ =	shalt  }
0x44: {  	_ =	shalt  }
0x45: {  	_ =	shalt  }
0x46: {  	_ =	shalt  }
0x47: {  	_ =	shalt  }
0x48: {  	_ =	shalt  }
0x49: {  	_ =	shalt  }
0x4a: {  	_ =	shalt  }
0x4b: {  	_ =	shalt  }
0x4c: {  	_ =	shalt  }
0x4d: {  	_ =	shalt  }
0x4e: {  	_ =	shalt  }
0x4f: {  	_ =	shalt  }
0x50: {  	_ =	shalt  }
0x51: {  	_ =	shalt  }
0x52: {  	_ =	shalt  }
0x53: {  	_ =	shalt  }
0x54: {  	_ =	shalt  }
0x55: {  	_ =	shalt  }
0x56: {  	_ =	shalt  }
0x57: {  	_ =	shalt  }
0x58: {  	_ =	shalt  }
0x59: {  	_ =	shalt  }
0x5a: {  	_ =	shalt  }
0x5b: {  	_ =	shalt  }
0x5c: {  	_ =	shalt  }
0x5d: {  	_ =	shalt  }
0x5e: {  	_ =	shalt  }
0x5f: {  	_ =	shalt  }
0x60: {  	_ =	shalt  }
0x61: {  	_ =	shalt  }
0x62: {  	_ =	shalt  }
0x63: {  	_ =	shalt  }
0x64: {  	_ =	shalt  }
0x65: {  	_ =	shalt  }
0x66: {  	_ =	shalt  }
0x67: {  	_ =	shalt  }
0x68: {  	_ =	shalt  }
0x69: {  	_ =	shalt  }
0x6a: {  	_ =	shalt  }
0x6b: {  	_ =	shalt  }
0x6c: {  	_ =	shalt  }
0x6d: {  	_ =	shalt  }
0x6e: {  	_ =	shalt  }
0x6f: {  	_ =	shalt  }
0x70: {  	_ =	shalt  }
0x71: {  	_ =	shalt  }
0x72: {  	_ =	shalt  }
0x73: {  	_ =	shalt  }
0x74: {  	_ =	shalt  }
0x75: {  	_ =	shalt  }
0x76: {  	_ =	shalt  }
0x77: {  	_ =	shalt  }
0x78: {  	_ =	shalt  }
0x79: {  	_ =	shalt  }
0x7a: {  	_ =	shalt  }
0x7b: {  	_ =	shalt  }
0x7c: {  	_ =	shalt  }
0x7d: {  	_ =	shalt  }
0x7e: {  	_ =	shalt  }
0x7f: {  	_ =	shalt  }
0x80: {  	_ =	shalt  }
0x81: {  	_ =	shalt  }
0x82: {  	_ =	shalt  }
0x83: {  	_ =	shalt  }
0x84: {  	_ =	shalt  }
0x85: {  	_ =	shalt  }
0x86: {  	_ =	shalt  }
0x87: {  	_ =	shalt  }
.Lfunc_end0:
.L_simem_size_0:
called_computation_lowered:
.L_overlay_start_0:
0x88: {  	s2 =	sld [smem:$0x3FD9]  }
0x89: {  	s3 =	sld [smem:$0x3FFE];
	_ =	sdelay $0x1  }
0x8a: {  	s1 =	srdreg.scid  }
0x8b: {  	s0 =	sand.u32 $0x1, s1  }
0x8c: {  	s18 =	sshll.u32 s0, $0xA;
	s2 =	sadd.s32 s3, s2  }
0x8d: {  	s2 =	sadd.s32 s2, s18  }
0x8e: {  	[smem:$0x3FC7] =	sst s2  }
0x8f: {  	_ = 	snop  }
0x90: {  	s2 =	sld [smem:$0x3FC9]  }
0x91: {  	s19 =	sld [smem:$0x3FD0];
	(tm) =	ssettm $0x1  }
0x92: {  	s4 =	sld [smem:$0x3FFB];
	_ =	sdelay $0x3  }
0x93: {  	_ =	strace s4  }
0x94: {  	s4 =	sld [smem:$0x3FFC];
	_ =	sdelay $0x3  }
0x95: {  	_ =	strace s4  }
0x96: {  	s4 =	sld [smem:$0x3FFD];
	_ =	sdelay $0x3  }
0x97: {  	_ =	strace s4  }
0x98: {  	_ =	strace $0x8FFFFFFF  }
0x99: {  	s20 =	sld [smem:$0x3FDB];
	_ =	sdelay $0x1  }
0x9a: {  	s5 =	simm.s32 $_scs_section_size  }
0x9b: {  	s6 =	simm.s32 $_size__tile_overlayer_lowered;
	s7 =	simm.s32 $_tile_overlayer_lowered  }
0x9c: {  	s23 =	simm.s32 $0x1BFF;
	s22 =	sshll.u32 s7, $0x1;
	s4 =	sadd.s32 s5, s20  }
0x9d: {  	s8 =	simm.s32 $0x0;
	s21 =	sshll.u32 s6, $0x1;
	s6 =	sadd.s32 s22, s4  }
0x9e: {  	[timem:s8], [sflag:s23] =	dma.local [hbm:s6], s21  }
0x9f: {  	_ =	swait.ge [sflag:s23], s21  }
0xa0: {  	s5 =	ssub.s32 $0x0, s21;
	[sflag:s23] =	ssyncset.done $0x0  }
0xa1: {  	[sflag:s23] =	ssyncadd.s32 s5;
	_ =	sdelay $0x1  }
0xa2: {  	s24 =	simm.s32 $0x1B8B  }
0xa3: {  	_ =	swait.ge [sflag:s24], $0x1  }
0xa4: {  	[sflag:s24] =	ssyncset.done $0x0  }
0xa5: {  	s25 =	simm.s32 $0x1B8E;
	[sflag:s24] =	ssyncadd.s32 $0xFFFFFFFF  }
0xa6: {  	s26 =	simm.s32 $execute0_lowered;
	[smem:$0x3FD2] =	sst s25  }
0xa7: {  	s5 =	sshll.u32 s26, $0x1;
	_ =	strace $0x80000046;
	[dreg:$0x1] =	wrdreg $0xFFFFFFFF  }
0xa8: {  	s28 =	simm.s32 $_size_execute0_lowered;
	s4 =	sadd.s32 s4, s5;
	[dreg:$0x0] =	wrdreg $0x0  }
0xa9: {  	s5 =	sshll.u32 s28, $0x1;
	[dreg:$0x2] =	wrdreg s4  }
0xaa: {  	[dreg:$0x3] =	wrdreg s5  }
0xab: {  	[dreg:$0x4] =	wrdreg $0xC0  }
0xac: {  	_ =	task [dreg:s8], $0x5FFFF  }
0xad: {  	[dreg:$0x1] =	wrdreg $0xFFFFFFFF  }
0xae: {  	[dreg:$0x0] =	wrdreg $0x60  }
0xaf: {  	[dreg:$0x2] =	wrdreg s2  }
0xb0: {  	[dreg:$0x3] =	wrdreg s19  }
0xb1: {  	[dreg:$0x4] =	wrdreg $0x9  }
0xb2: {  	_ =	task.clear_ibuf [dreg:s8], $0x5FFFF;
	_ =	strace $0x90000046  }
0xb3: {  	s29 =	simm.s32 $0x9;
	_ =	strace $0x80000048  }
0xb4: {  	_ =	swait.ge [sflag:s29], $0x1  }
0xb5: {  	[sflag:s29] =	ssyncadd.s32 $0xFFFFFFFF  }
0xb6: {  	_ =	strace $0x90000048  }
0xb7: {  	_ =	sfence  }
0xb8: {  	s30 =	sld [smem:$0x0];
	_ =	sdelay $0x2  }
0xb9: {  	s31 =	sshll.u32 s1, $0xD;
	s1 =	sshrl.u32 s1, $0x2  }
0xba: {  	s3 =	sand.u32 $0x4000, s31;
	s1 =	sadd.s32 s1, s30  }
0xbb: {  	s0 =	sor.u32 s3, s0;
	s1 =	sshll.u32 s1, $0x11  }
0xbc: {  	s0 =	sor.u32 s1, s0  }
0xbd: {  	s0 =	sadd.s32 $0x8F2B, s0  }
0xbe: {  	[sflag:s0] =	ssyncadd.remote.s32 $0x1  }
0xbf: {  	_ =	sfence.sel $0xFFFF  }
0xc0: {  	[dreg:$0x0] =	wrdreg $0xFFFFFFFF;
	(pc) =	sbr.abs _section_cstart, $3  }
0xc1: {  	[dreg:$0x1] =	wrdreg $0xFFFFFFFF  }
0xc2: {  	_ =	task.clear_ibuf [dreg:s8], $0x2FFFF;
	_ =	strace $0x9FFFFFFF  }
0xc3: {  	(tm) =	ssettm $0x7FFFFFFF  }
tec
execute0_lowered:
.L_overlay_start_1:
0x0: {  	(tag) =	ssettag $0x1  }
0x1: {  	s3 =	rddreg [dreg:$0x0]  }
0x2: {  	s4 =	rddreg [dreg:$0x1]  }
0x3: {  	s0 =	rddreg [dreg:$0x2]  }
0x4: {  	s5 =	srdreg.scid;
	s1 =	stileid.u32;
	s2 =	simm.s32 $0x0  }
0x5: {  	s9 =	simm.s32 $0x0;
	s5 =	sand.u32 $0x1, s5;
	s6 =	sshll.u32 s1, $0x1  }
.Ltmp0:
0x6: {  	[smem:$0x7FF] =	sst s2;
	s7 =	ssub.s32 $0x2, s5;
	(pc) =	sbr.rel .LBB2_1-.Ltmp0, $4  }
0x7: {  	v0 =	vlaneseq.u32;
	s5 =	sor.u32 s5, s6;
	_ =	strace $0x80000047;
	s31 =	sshrl.u32 s7, $0x1  }
0x8: {  	v1 =	vmul.u32 $0xFFFFFFFF, v0;
	s8 =	sshll.u32 s5, $0x11;
	s5 =	sshll.u32 s5, $0x9;
	s6 =	ssub.s32 s7, s31  }
0x9: {  	s3 =	sadd.s32 s3, s8;
	s4 =	sadd.s32 s4, s5;
	s7 =	simm.s32 $0x1  }
0xa: {  	v1 =	vadd.s32 $0xF, v1;
	s8 =	simm.s32 $0x4080;
	s5 =	smax.u32 s6, $0x1;
	s6 =	simm.s32 $0x400  }
.LBB2_15:
0xb: {  	s9 =	sadd.s32 $0x1, s9  }
0xc: {  	p0 =	sne.s32 s9, s5  }
.Ltmp1:
0xd: {  	_ = 	snop;
	(pc) =	sbr.rel @!p0 .LBB2_16-.Ltmp1, $4  }
0xe: {  	[hbm4b:s4+s2] =	stream.linear.scatter [tilespmem:s8], [sflag:$0x1], $0x1000, $0x38;
	[tilespmem:$0x5080] =	vst v63  }
0xf: {  	_ =	swait.ge [sflag:s7], $0x1000  }
0x10: {  	[sflag:s7] =	ssyncset.done $0x0  }
0x11: {  	[sflag:s7] =	ssyncadd.s32 $0xFFFFF000  }
.LBB2_1:
.Ltmp2:
0x12: {  	(pc) =	sbr.rel .LBB2_2-.Ltmp2, $2  }
0x13: {  	_ =	sdelay $0x2  }
0x14: {  	s10 =	simm.s32 $0x0  }
.LBB2_7:
0x15: {  	v3 =	vimm.f32 $-Inf  }
.LBB2_14:
0x16: {  	s11 =	sshll.u32 s10, $0x5;
	s10 =	sadd.s32 $0x1, s10  }
0x17: {  	p0 =	sne.s32 s10, $0x80  }
.Ltmp3:
0x18: {  	_ = 	snop;
	(pc) =	sbr.rel @!p0 .LBB2_15-.Ltmp3, $4  }
0x19: {  	_ = 	snop  }
0x1a: {  	s11 =	sand.u32 $0x3FFFFFE0, s11  }
0x1b: {  	[tilespmem:s11+$0x4080] =	vst v2  }
0x1c: {  	[tilespmem:s11+$0x4090] =	vst v3  }
.LBB2_2:
0x1d: {  	s11 =	sshll.u32 s10, $0xA  }
0x1e: {  	s12 =	sshll.u32 s10, $0x4;
	s11 =	sand.u32 $0x1E000, s11  }
0x1f: {  	s12 =	sand.u32 $0x70, s12;
	s11 =	sadd.s32 s11, s3  }
0x20: {  	s31 =	simm.s32 $0x80;
	s11 =	sadd.s32 s12, s11  }
0x21: {  	[tilespmem:s2], [sflag:$0x1] =	stream.strided.gather [hbm4b:s11+s31], $0x2000, s6, s31, $0x38;
	[tilespmem:$0x5080] =	vst v63  }
0x22: {  	_ =	swait.ge [sflag:s7], $0x2000  }
0x23: {  	[sflag:s7] =	ssyncset.done $0x0  }
0x24: {  	[sflag:s7] =	ssyncadd.s32 $0xFFFFE000  }
0x25: {  	v2 =	vld [tilespmem:s31+$0x30]  }
0x26: {  	v6 =	vld [tilespmem:s31+$0x0]  }
0x27: {  	v5 =	vld [tilespmem:s31+$0xFFFFFFF0]  }
0x28: {  	v3 =	vld [tilespmem:s31+$0xFFFFFF80]  }
0x29: {  	v7 =	vld [tilespmem:s31+$0xFFFFFFB0]  }
0x2a: {  	v9 =	vld [tilespmem:s31+$0xFFFFFFA0]  }
0x2b: {  	v11 =	vld [tilespmem:s31+$0xFFFFFF90]  }
0x2c: {  	v16 =	vld [tilespmem:s31+$0xFFFFFFC0]  }
0x2d: {  	v8 =	vimm.f32 $-Inf;
	v20 =	vld [tilespmem:s31+$0xFFFFFFD0]  }
0x2e: {  	v4 =	vld [tilespmem:s31+$0x20];
	v10 =	vmin.f32 v8, v3;
	v24 =	vmax.f32 v8, v3  }
0x2f: {  	v17 =	vld [tilespmem:s31+$0x10];
	v14 =	vmin.f32 v8, v7;
	v18 =	vmax.f32 v8, v7;
	v21 =	vmin.f32 v8, v9  }
0x30: {  	v13 =	vld [tilespmem:s31+$0xFFFFFFE0];
	v7 =	vmin.f32 v8, v11;
	v23 =	vmax.f32 v8, v11;
	v12 =	vmax.f32 v8, v10  }
0x31: {  	v19 =	vld [tilespmem:s31+$0x50];
	v10 =	vmax.f32 v8, v9;
	v15 =	vmax.f32 v24, v16;
	v11 =	vmax.f32 v18, v5  }
0x32: {  	v3 =	vld [tilespmem:s31+$0x60];
	v7 =	vmax.f32 v8, v7;
	v22 =	vmin.f32 v23, v20;
	v23 =	vmax.f32 v23, v20  }
0x33: {  	v21 =	vmax.f32 v8, v21;
	v24 =	vmin.f32 v24, v16;
	v22 =	vmax.f32 v7, v22;
	v7 =	vld [tilespmem:s31+$0x40]  }
0x34: {  	s12 =	simm.s32 $0x180;
	s11 =	simm.s32 $0x0;
	v16 =	vld [tilespmem:s31+$0x70];
	v9 =	vmax.f32 v11, v2;
	v20 =	vmin.f32 v15, v6;
	v25 =	vmin.f32 v23, v17  }
.LBB2_3:
0x35: {  	v26 =	vld [tilespmem:s12+$0x30];
	s11 =	sadd.s32 $0x4, s11;
	v18 =	vmin.f32 v18, v5;
	v22 =	vmax.f32 v22, v25;
	v17 =	vmax.f32 v23, v17  }
0x36: {  	v8 =	vmax.f32 v8, v14;
	v12 =	vmax.f32 v12, v24;
	v23 =	vld [tilespmem:s12+$0x0];
	p0 =	slt.u32 s11, $0x7C;
	v14 =	vmin.f32 v10, v13  }
0x37: {  	v15 =	vmax.f32 v15, v6;
	v8 =	vmax.f32 v8, v18;
	v5 =	vld [tilespmem:s12+$0xFFFFFFF0];
	v6 =	vmin.f32 v17, v19  }
0x38: {  	v19 =	vmax.f32 v17, v19;
	v24 =	vld [tilespmem:s12+$0xFFFFFFC0];
	v18 =	vmin.f32 v15, v7;
	v22 =	vmax.f32 v22, v6  }
0x39: {  	v25 =	vmax.f32 v10, v13;
	v10 =	vmax.f32 v12, v20;
	v20 =	vmin.f32 v11, v2;
	v17 =	vld [tilespmem:s12+$0xFFFFFF80]  }
0x3a: {  	v12 =	vmax.f32 v21, v14;
	v13 =	vmax.f32 v25, v4;
	v8 =	vmax.f32 v8, v20;
	v11 =	vld [tilespmem:s12+$0xFFFFFFB0];
	v2 =	vmovc v26  }
0x3b: {  	v4 =	vmin.f32 v25, v4;
	v14 =	vmin.f32 v9, v16;
	v9 =	vmax.f32 v9, v16;
	v20 =	vld [tilespmem:s12+$0xFFFFFFA0];
	v6 =	vmovc v23  }
0x3c: {  	v12 =	vmax.f32 v12, v4;
	v21 =	vmax.f32 v13, v3;
	v8 =	vmax.f32 v8, v14;
	v16 =	vld [tilespmem:s12+$0xFFFFFF90]  }
0x3d: {  	v4 =	vmax.f32 v15, v7;
	v3 =	vmin.f32 v13, v3;
	v10 =	vmax.f32 v10, v18;
	v23 =	vld [tilespmem:s12+$0xFFFFFFD0]  }
0x3e: {  	v26 =	vmax.f32 v12, v3;
	v7 =	vmin.f32 v4, v17;
	v25 =	vmax.f32 v4, v17;
	v4 =	vld [tilespmem:s12+$0x20]  }
0x3f: {  	v12 =	vmax.f32 v10, v7;
	v14 =	vmin.f32 v9, v11;
	v18 =	vmax.f32 v9, v11;
	v17 =	vld [tilespmem:s12+$0x10]  }
.Ltmp4:
0x40: {  	v15 =	vmax.f32 v25, v24;
	v27 =	vmin.f32 v21, v20;
	v10 =	vmax.f32 v21, v20;
	v3 =	vld [tilespmem:s12+$0x60];
	(pc) =	sbr.rel @p0 .LBB2_3-.Ltmp4, $4  }
0x41: {  	v11 =	vmax.f32 v18, v5;
	v7 =	vmin.f32 v19, v16;
	v16 =	vmax.f32 v19, v16;
	v13 =	vld [tilespmem:s12+$0xFFFFFFE0]  }
0x42: {  	v9 =	vmax.f32 v11, v2;
	v7 =	vmax.f32 v22, v7;
	v20 =	vmin.f32 v16, v23;
	v19 =	vld [tilespmem:s12+$0x50]  }
0x43: {  	v23 =	vmax.f32 v16, v23;
	v22 =	vmax.f32 v7, v20;
	v20 =	vmin.f32 v15, v6;
	v7 =	vld [tilespmem:s12+$0x40]  }
0x44: {  	v24 =	vmin.f32 v25, v24;
	v21 =	vmax.f32 v26, v27;
	v25 =	vmin.f32 v23, v17;
	v16 =	vld [tilespmem:s12+$0x70];
	s12 =	sadd.s32 $0x100, s12  }
0x45: {  	v5 =	vmin.f32 v18, v5;
	v18 =	vmax.f32 v22, v25;
	v17 =	vmax.f32 v23, v17  }
0x46: {  	v8 =	vmax.f32 v8, v14;
	v12 =	vmax.f32 v12, v24;
	v6 =	vmax.f32 v15, v6  }
0x47: {  	v2 =	vmin.f32 v11, v2;
	v14 =	vmin.f32 v10, v13;
	v5 =	vmax.f32 v8, v5  }
0x48: {  	v10 =	vmax.f32 v10, v13;
	v12 =	vmax.f32 v12, v20;
	v8 =	vmin.f32 v17, v19  }
0x49: {  	v17 =	vmax.f32 v17, v19;
	v11 =	vmax.f32 v21, v14;
	v13 =	vmax.f32 v10, v4  }
0x4a: {  	v2 =	vmax.f32 v5, v2;
	v4 =	vmin.f32 v10, v4;
	v15 =	vmin.f32 v6, v7  }
0x4b: {  	v8 =	vmax.f32 v18, v8;
	v4 =	vmax.f32 v11, v4;
	v10 =	vmax.f32 v13, v3  }
0x4c: {  	v6 =	vmax.f32 v6, v7;
	v3 =	vmin.f32 v13, v3;
	v5 =	vmin.f32 v9, v16  }
0x4d: {  	v9 =	vmax.f32 v9, v16;
	v2 =	vmax.f32 v2, v5;
	v5 =	vmax.f32 v12, v15  }
0x4e: {  	v3 =	vmax.f32 v4, v3;
	v4 =	vmin.f32 v6, v17;
	v5 =	vmax.f32 v5, v8  }
0x4f: {  	v2 =	vmax.f32 v3, v2;
	v4 =	vmax.f32 v4, v5;
	v5 =	vmin.f32 v10, v9  }
0x50: {  	v3 =	vmax.f32 v6, v17;
	v2 =	vmax.f32 v5, v2;
	v5 =	vmax.f32 v10, v9  }
0x51: {  	v3 =	vmin.f32 v3, v5;
	v2 =	vmax.f32 v4, v2  }
0x52: {  	v2 =	vmax.f32 v3, v2  }
0x53: {  	(xrf1) =	vsort.dscd.msk.f32 $0xffff, v2, v2;
	_ =	sdelay $0xa  }
0x54: {  	s11 =	simm.s32 $0x40  }
0x55: {  	v20 =	vld [tilespmem:s11+$0xFFFFFFC0]  }
0x56: {  	v9 =	vld [tilespmem:s11+$0xFFFFFFD0]  }
0x57: {  	v8 =	vld [tilespmem:s11+$0xFFFFFFE0];
	v2, _, _ =	vpop (xrf1)  }
0x58: {  	v7 =	vld [tilespmem:s11+$0xFFFFFFF0];
	v10 =	vbroadcast v2, $0xF  }
0x59: {  	v5 =	vld [tilespmem:s11+$0x0]  }
0x5a: {  	v4 =	vld [tilespmem:s11+$0x10];
	vm2 =	vge.f32 v20, v10  }
0x5b: {  	v3 =	vld [tilespmem:s11+$0x20];
	vm3 =	vge.f32 v9, v10;
	v6 =	vmpcnt.ones.xlane vm2  }
0x5c: {  	v2 =	vld [tilespmem:s11+$0x30];
	vm5 =	vge.f32 v8, v10;
	v11 =	vmpcnt.ones.xlane vm3  }
0x5d: {  	s12 =	simm.s32 $0xC0;
	vm6 =	vge.f32 v7, v10;
	v12 =	vmpcnt.ones.xlane vm5;
	(v2sf) =	vpush v6, $0x0  }
0x5e: {  	vm7 =	vge.f32 v5, v10;
	v13 =	vmpcnt.ones.xlane vm6;
	v6 =	vld [tilespmem:s12+$0xFFFFFFC0];
	(v2sf) =	vpush v11, $0x0  }
0x5f: {  	vm9 =	vge.f32 v4, v10;
	v14 =	vmpcnt.ones.xlane vm7;
	v11 =	vld [tilespmem:s12+$0xFFFFFFD0];
	(v2sf) =	vpush v12, $0x0  }
0x60: {  	vm0 =	vge.f32 v3, v10;
	v15 =	vmpcnt.ones.xlane vm9;
	v12 =	vld [tilespmem:s12+$0xFFFFFFE0];
	(v2sf) =	vpush v13, $0x0  }
0x61: {  	vm1 =	vge.f32 v2, v10;
	v13 =	vmpcnt.ones.xlane vm0;
	(v2sf) =	vpush v14, $0x0  }
0x62: {  	vm13 =	vmmov vm2;
	v16 =	vmpcnt.ones.xlane vm1;
	(v2sf) =	vpush v15, $0x0  }
0x63: {  	vm4 =	vmmov vm3;
	vm2 =	vge.f32 v6, v10;
	(v2sf) =	vpush v13, $0x0  }
0x64: {  	v14 =	vld [tilespmem:s12+$0xFFFFFFF0];
	vm3 =	vge.f32 v11, v10;
	(v2sf) =	vpush v16, $0x0;
	v16 =	vmpcnt.ones.xlane vm2  }
0x65: {  	v13 =	vld [tilespmem:s12+$0x0];
	v17 =	vmpcnt.ones.xlane vm3;
	vm8 =	vge.f32 v12, v10  }
0x66: {  	v15 =	vld [tilespmem:s12+$0x10];
	v63 =	vmpcnt.ones.xlane vm8;
	(v2sf) =	vpush v16, $0x0  }
0x67: {  	(v2sf) =	vpush v17, $0x0  }
0x68: {  	v16 =	vld [tilespmem:s12+$0x20];
	(v2sf) =	vpush v63, $0x0  }
0x69: {  	vm10 =	vmmov vm7;
	vm7 =	vmmov vm9;
	vm9 =	vge.f32 v14, v10;
	v17 =	vld [tilespmem:s12+$0x30]  }
0x6a: {  	s13 =	simm.s32 $0x0;
	vm5 =	vmmov vm5;
	v18 =	vmpcnt.ones.xlane vm9;
	vm12 =	vge.f32 v13, v10  }
0x6b: {  	s11 =	simm.s32 $0x8;
	vm6 =	vmmov vm6;
	[tilespmem:s13+$0x2000] =	vst.msk vm13, v20;
	vm11 =	vge.f32 v15, v10;
	s12 =	simm.s32 $0x140;
	v19 =	vmpcnt.ones.xlane vm12  }
.LBB2_5:
0x6c: {  	v21 =	vmpcnt.ones.xlane vm11;
	(v2sf) =	vpush v18, $0x0  }
0x6d: {  	v20 =	vld [tilespmem:s12+$0xFFFFFFC0];
	s11 =	sadd.s32 $0x8, s11;
	v18 =	vmovc v16;
	vm15 =	vmmov vm0;
	vm0 =	vge.f32 v16, v10;
	vm13 =	vmmov vm1  }
0x6e: {  	v22 =	vld [tilespmem:s12+$0xFFFFFFD0];
	p0 =	slt.u32 s11, $0x1F8;
	v16 =	vmpcnt.ones.xlane vm0;
	vm1 =	vge.f32 v17, v10;
	(v2sf) =	vpush v19, $0x0;
	s14 =	spop (v2sf);
	v19 =	vmovc v17  }
0x6f: {  	vm14 =	vmmov vm2;
	v23 =	vld [tilespmem:s12+$0xFFFFFFE0];
	v17 =	vmpcnt.ones.xlane vm1;
	(v2sf) =	vpush v21, $0x0;
	s13 =	sadd.s32 s13, s14;
	s14 =	spop (v2sf)  }
0x70: {  	v21 =	vld [tilespmem:s12+$0xFFFFFFF0];
	(v2sf) =	vpush v16, $0x0;
	[tilespmem:s13+$0x2000] =	vst.msk vm4, v9;
	s13 =	sadd.s32 s13, s14;
	s14 =	spop (v2sf);
	v9 =	vmov v11;
	vm4 =	vmmov vm3  }
0x71: {  	v24 =	vld [tilespmem:s12+$0x0];
	(v2sf) =	vpush v17, $0x0;
	[tilespmem:s13+$0x2000] =	vst.msk vm5, v8;
	s13 =	sadd.s32 s13, s14;
	s14 =	spop (v2sf);
	v8 =	vmov v12;
	vm5 =	vmmov vm8  }
0x72: {  	vm2 =	vge.f32 v20, v10;
	v25 =	vld [tilespmem:s12+$0x10];
	[tilespmem:s13+$0x2000] =	vst.msk vm6, v7;
	s13 =	sadd.s32 s13, s14;
	s14 =	spop (v2sf);
	v7 =	vmov v14;
	vm6 =	vmmov vm9  }
.Ltmp5:
0x73: {  	v26 =	vmpcnt.ones.xlane vm2;
	vm3 =	vge.f32 v22, v10;
	v16 =	vld [tilespmem:s12+$0x20];
	[tilespmem:s13+$0x2000] =	vst.msk vm10, v5;
	s13 =	sadd.s32 s13, s14;
	s14 =	spop (v2sf);
	v11 =	vmovc v22;
	v5 =	vmovc v13;
	vm10 =	vmmov vm12;
	(pc) =	sbr.rel @p0 .LBB2_5-.Ltmp5, $4  }
0x74: {  	v22 =	vmpcnt.ones.xlane vm3;
	vm8 =	vge.f32 v23, v10;
	v17 =	vld [tilespmem:s12+$0x30];
	[tilespmem:s13+$0x2000] =	vst.msk vm7, v4;
	s13 =	sadd.s32 s13, s14;
	s14 =	spop (v2sf);
	v12 =	vmovc v23;
	v4 =	vmovc v15;
	vm7 =	vmmov vm11  }
0x75: {  	v23 =	vmpcnt.ones.xlane vm8;
	vm9 =	vge.f32 v21, v10;
	(v2sf) =	vpush v26, $0x0;
	[tilespmem:s13+$0x2000] =	vst.msk vm15, v3;
	s13 =	sadd.s32 s13, s14;
	s14 =	spop (v2sf);
	v14 =	vmovc v21;
	v3 =	vmovc v18  }
0x76: {  	v18 =	vmpcnt.ones.xlane vm9;
	vm12 =	vge.f32 v24, v10;
	(v2sf) =	vpush v22, $0x0;
	[tilespmem:s13+$0x2000] =	vst.msk vm13, v2;
	s13 =	sadd.s32 s13, s14;
	v13 =	vmovc v24;
	v2 =	vmovc v19  }
0x77: {  	s12 =	sadd.s32 $0x80, s12;
	v19 =	vmpcnt.ones.xlane vm12;
	vm11 =	vge.f32 v25, v10;
	(v2sf) =	vpush v23, $0x0;
	[tilespmem:s13+$0x2000] =	vst.msk vm14, v6;
	v6 =	vmovc v20;
	v15 =	vmovc v25  }
0x78: {  	v20 =	vmpcnt.ones.xlane vm11;
	vm13 =	vge.f32 v16, v10;
	(v2sf) =	vpush v18, $0x0  }
0x79: {  	v63 =	vmpcnt.ones.xlane vm13;
	vm14 =	vge.f32 v17, v10;
	(v2sf) =	vpush v19, $0x0  }
0x7a: {  	v10 =	vmpcnt.ones.xlane vm14;
	(v2sf) =	vpush v20, $0x0  }
0x7b: {  	(v2sf) =	vpush v63, $0x0  }
0x7c: {  	s11 =	spop (v2sf);
	(v2sf) =	vpush v10, $0x0  }
0x7d: {  	s12 =	spop (v2sf);
	s11 =	sadd.s32 s13, s11  }
0x7e: {  	s24 =	spop (v2sf);
	s12 =	sadd.s32 s11, s12  }
0x7f: {  	s13 =	sadd.s32 s12, s24;
	s14 =	spop (v2sf)  }
0x80: {  	s14 =	sadd.s32 s13, s14;
	s15 =	spop (v2sf)  }
0x81: {  	s15 =	sadd.s32 s14, s15;
	s16 =	spop (v2sf)  }
0x82: {  	s16 =	sadd.s32 s15, s16;
	s17 =	spop (v2sf)  }
0x83: {  	s25 =	sadd.s32 s16, s17;
	s26 =	spop (v2sf)  }
0x84: {  	[tilespmem:s11+$0x2000] =	vst.msk vm4, v9;
	s28 =	sadd.s32 s25, s26;
	s29 =	spop (v2sf)  }
0x85: {  	[tilespmem:s12+$0x2000] =	vst.msk vm5, v8;
	s30 =	sadd.s32 s28, s29;
	s31 =	spop (v2sf)  }
0x86: {  	[tilespmem:s13+$0x2000] =	vst.msk vm6, v7;
	s18 =	sadd.s32 s30, s31;
	s19 =	spop (v2sf)  }
0x87: {  	[tilespmem:s14+$0x2000] =	vst.msk vm10, v5;
	s20 =	sadd.s32 s18, s19;
	s21 =	spop (v2sf)  }
0x88: {  	vm1 =	vmmov vm1;
	[tilespmem:s15+$0x2000] =	vst.msk vm7, v4;
	s22 =	sadd.s32 s20, s21;
	s23 =	spop (v2sf)  }
0x89: {  	vm6 =	vmmov vm2;
	[tilespmem:s25+$0x2000] =	vst.msk vm1, v2;
	s24 =	sadd.s32 s22, s23;
	s25 =	spop (v2sf)  }
0x8a: {  	vm7 =	vmmov vm3;
	[tilespmem:s28+$0x2000] =	vst.msk vm6, v6;
	s26 =	sadd.s32 s24, s25;
	s28 =	spop (v2sf)  }
0x8b: {  	vm0 =	vmmov vm0;
	[tilespmem:s30+$0x2000] =	vst.msk vm7, v11;
	s29 =	sadd.s32 s26, s28;
	s30 =	spop (v2sf)  }
0x8c: {  	vm8 =	vmmov vm8;
	[tilespmem:s16+$0x2000] =	vst.msk vm0, v3;
	s31 =	sadd.s32 s29, s30  }
0x8d: {  	vm9 =	vmmov vm9;
	[tilespmem:s18+$0x2000] =	vst.msk vm8, v12;
	s12 =	sadd.s32 $0xF, s31  }
0x8e: {  	vm10 =	vmmov vm12;
	[tilespmem:s20+$0x2000] =	vst.msk vm9, v14;
	v3 =	vadd.s32 s31, v0;
	p0 =	slt.s32 s12, $0x10  }
.Ltmp6:
0x8f: {  	vm12 =	vmmov vm11;
	[tilespmem:s22+$0x2000] =	vst.msk vm10, v13;
	(pc) =	sbr.rel @p0 .LBB2_7-.Ltmp6, $4  }
0x90: {  	vm13 =	vmmov vm13;
	[tilespmem:s24+$0x2000] =	vst.msk vm12, v15  }
0x91: {  	vm15 =	vmmov vm14;
	[tilespmem:s26+$0x2000] =	vst.msk vm13, v16  }
0x92: {  	s11 =	simm.s32 $0x2000;
	v2 =	vimm.f32 $-Inf;
	[tilespmem:s29+$0x2000] =	vst.msk vm15, v17  }
0x93: {  	[tilespmem:v3+s11+$0x0] =	vst.idx.msk $0xffff, v2  }
0x94: {  	s13 =	sshra.s32 s12, $0x1F  }
0x95: {  	s13 =	sshrl.u32 s13, $0x1C  }
0x96: {  	s31 =	sadd.s32 s13, s12  }
0x97: {  	s12 =	sshra.s32 s31, $0x4  }
0x98: {  	p1 =	sne.s32 s12, $0x1  }
.Ltmp7:
0x99: {  	_ = 	snop;
	(pc) =	sbr.rel @!p1 .LBB2_9-.Ltmp7, $2  }
0x9a: {  	_ =	sdelay $0x2  }
0x9b: {  	v4 =	vld [tilespmem:s11+$0x0];
	p0 =	por $0x0, $0x0;
	s12 =	sadd.s32 $0xFFFFFFFF, s12  }
0x9c: {  	_ =	sdelay $0x3  }
0x9d: {  	(xrf1) =	vsort.dscd.msk.f32 $0xffff, v4, v4;
	_ =	sdelay $0xd  }
0x9e: {  	v3, _, _ =	vpop (xrf1)  }
0x9f: {  	v3 =	vperm.xlane v3, v1;
	_ =	sdelay $0x1  }
0xa0: {  	v3 =	vmax.f32 v2, v3  }
0xa1: {  	(xrf1) =	vsort.dscd.msk.f32 $0xffff, v3, v3;
	_ =	sdelay $0x5  }
0xa2: {  	p1 =	sne.s32 s12, $0x1  }
.Ltmp8:
0xa3: {  	_ = 	snop;
	(pc) =	sbr.rel @!p1 .LBB2_11-.Ltmp8, $3  }
0xa4: {  	_ =	sdelay $0x1  }
0xa5: {  	s11 =	simm.s32 $0x2010  }
0xa6: {  	s12 =	sadd.s32 $0xFFFFFFFF, s12;
	p0 =	por $0x1, $0x1;
	v4 =	vld [tilespmem:s11+$0x0];
	v3 =	vimm.f32 $-Inf  }
.LBB2_12:
0xa7: {  	p1 =	sne.s32 s12, $0x1;
	_ =	sdelay $0x1  }
0xa8: {  	v5, _, _ =	vpop (xrf1)  }
0xa9: {  	v5 =	vperm.xlane v5, v1  }
0xaa: {  	(xrf1) =	vsort.dscd.msk.f32 $0xffff, v4, v4  }
0xab: {  	v4 =	vmax.f32 v3, v5;
	v3 =	vmin.f32 v3, v5  }
0xac: {  	(xrf1) =	vsort.dscd.msk.f32 $0xffff, v3, v3  }
0xad: {  	(xrf1) =	vsort.dscd.msk.f32 $0xffff, v4, v4;
	_ =	sdelay $0xa  }
0xae: {  	v3, _, _ =	vpop (xrf1)  }
0xaf: {  	v5 =	vperm.xlane v3, v1  }
0xb0: {  	v4, _, _ =	vpop (xrf1)  }
0xb1: {  	v4 =	vmax.f32 v4, v5;
	v3, _, _ =	vpop (xrf1)  }
0xb2: {  	(xrf1) =	vsort.dscd.msk.f32 $0xffff, v4, v4;
	_ =	sdelay $0x6  }
.Ltmp9:
0xb3: {  	(pc) =	sbr.rel @p1 .LBB2_12-.Ltmp9, $3  }
0xb4: {  	_ =	sdelay $0x1  }
0xb5: {  	s11 =	sadd.s32 $0x10, s11  }
0xb6: {  	s12 =	sadd.s32 $0xFFFFFFFF, s12;
	v4 =	vld [tilespmem:s11+$0x0]  }
.LBB2_13:
0xb7: {  	_ =	sdelay $0x1  }
0xb8: {  	v5, _, _ =	vpop @p0 (xrf1)  }
0xb9: {  	v5 =	vperm.xlane @p0 v5, v1;
	_ =	sdelay $0x1  }
0xba: {  	(xrf1) =	vsort.dscd.msk.f32 $0xffff, v4, v4;
	v4 =	vmin.f32 @p0 v3, v5  }
0xbb: {  	(xrf1) =	vsort.dscd.msk.f32 @p0 $0xffff, v4, v4;
	_ =	sdelay $0xc  }
0xbc: {  	v4, _, _ =	vpop (xrf1)  }
0xbd: {  	v4 =	vperm.xlane v4, v1;
	v6, _, _ =	vpop @p0 (xrf1)  }
0xbe: {  	v3 =	vmax.f32 @p0 v3, v5;
	v5 =	vpsel p0, v6, v2  }
0xbf: {  	(xrf1) =	vsort.dscd.msk.f32 @p0 $0xffff, v3, v3;
	v3 =	vmax.f32 v5, v4  }
0xc0: {  	(xrf1) =	vsort.dscd.msk.f32 $0xffff, v3, v3;
	_ =	sdelay $0xc  }
0xc1: {  	v3, _, _ =	vpop @p0 (xrf1)  }
0xc2: {  	v4, _, _ =	vpop (xrf1)  }
0xc3: {  	v4 =	vperm.xlane v4, v1  }
0xc4: {  	v2 =	vpsel p0, v3, v2  }
0xc5: {  	v3 =	vmin.f32 v2, v4  }
0xc6: {  	v2 =	vmax.f32 v2, v4;
	(xrf1) =	vsort.dscd.msk.f32 $0xffff, v3, v3  }
0xc7: {  	(xrf1) =	vsort.dscd.msk.f32 $0xffff, v2, v2;
	_ =	sdelay $0x9  }
.Ltmp10:
0xc8: {  	_ = 	snop;
	(pc) =	sbr.rel .LBB2_14-.Ltmp10, $3  }
0xc9: {  	_ =	sdelay $0x1  }
0xca: {  	v3, _, _ =	vpop (xrf1)  }
0xcb: {  	v2, _, _ =	vpop (xrf1)  }
.LBB2_9:
.Ltmp11:
0xcc: {  	(pc) =	sbr.rel .LBB2_13-.Ltmp11, $2  }
0xcd: {  	_ =	sdelay $0x2  }
0xce: {  	v3 =	vimm.f32 $-Inf  }
.LBB2_11:
.Ltmp12:
0xcf: {  	(pc) =	sbr.rel .LBB2_13-.Ltmp12, $2  }
0xd0: {  	_ =	sdelay $0x2  }
0xd1: {  	v3 =	vimm.f32 $-Inf  }
.LBB2_16:
0xd2: {  	_ =	sfence.sel $0x180000  }
0xd3: {  	[bflag:$0x0] =	sbarrier.arrive $0xFFFF  }
0xd4: {  	p0 =	sne.s32 s1, $0x0;
	_ =	strace $0x90000047  }
0xd5: {  	s0 =	sadd.s32 @!p0 $0x100000, s0;
	[bflag:$0x2] =	sbarrier.arrive $0xFFFF  }
0xd6: {  	[sflag:s0] =	ssyncadd.tile.s32 @!p0 $0x1;
	_ =	shalt  }
.Lfunc_end2:
_tile_overlayer_lowered:
.L_overlay_start_2:
0xd7: {  	(tag) =	ssettag $0x2  }
0xd8: {  	s0 =	rddreg [dreg:$0x0];
	s2 =	stileid.u32  }
0xd9: {  	s1 =	rddreg [dreg:$0x1];
	p0 =	sne.s32 s2, $0x0  }
0xda: {  	s3 =	rddreg [dreg:$0x2];
	[bflag:$0x3] =	sbarrier.arrive $0xFFFF;
	s2 =	simm.s32 @!p0 $0x1C01  }
0xdb: {  	[timem:s3], [sflag:s2] =	dma.local @!p0 [hbm:s0], s1  }
0xdc: {  	s0 =	simm.s32 @!p0 $0x1  }
0xdd: {  	_ =	swait.ge @!p0 [sflag:s0], s1  }
0xde: {  	s1 =	ssub.s32 @!p0 $0x0, s1;
	[sflag:s0] =	ssyncset.done @!p0 $0x0  }
0xdf: {  	[sflag:s0] =	ssyncadd.s32 @!p0 s1  }
0xe0: {  	[bflag:$0x3] =	sbarrier.arrive $0xFFFF  }
0xe1: {  	_ =	shalt  }

</sc_bundles>
